<compile_context>
chip_gen: v7x
topology: tpu7x:2x2x1
jax: 0.10.2.dev20260603
libtpu: 0.0.44.dev20260713+nightly
codegen_flags: <defaults>
</compile_context>

<pallas_src>
import functools

import jax
import jax.numpy as jnp
from jax import lax
from jax.experimental import pallas as pl
from jax.experimental.pallas import tpu as pltpu
from jax.experimental.pallas import tpu_sc as plsc

T = 8
V = 1000
N = 1000
D = 64
B = 16384
ROWS = B * T
NC, NS = 2, 16
NW = NC * NS
BPW = ROWS // NW
CHUNK = 128
NCH = BPW // CHUNK
BB = 1024


def _gather_body(tok_hbm, idx_hbm, out_hbm, idx_v, buf0, buf1,
                 semg0, semg1, semw0, semw1):
    wid = lax.axis_index("s") * NC + lax.axis_index("c")
    base = wid * BPW
    pltpu.sync_copy(idx_hbm.at[pl.ds(base, BPW)], idx_v)

    bufs = (buf0, buf1)
    semgs = (semg0, semg1)
    semws = (semw0, semw1)

    def start_gather(g, b):
        pltpu.async_copy(
            tok_hbm.at[idx_v.at[pl.ds(g * CHUNK, CHUNK)]], bufs[b], semgs[b]
        )

    def wait_gather(b):
        pltpu.make_async_copy(
            tok_hbm.at[idx_v.at[pl.ds(0, CHUNK)]], bufs[b], semgs[b]
        ).wait()

    def start_write(g, b):
        pltpu.async_copy(
            bufs[b], out_hbm.at[pl.ds(base + g * CHUNK, CHUNK), :], semws[b]
        )

    def wait_write(b):
        pltpu.make_async_copy(
            bufs[b], out_hbm.at[pl.ds(base, CHUNK), :], semws[b]
        ).wait()

    start_gather(0, 0)
    wait_gather(0)
    start_gather(1, 1)
    start_write(0, 0)

    def lbody(k, carry):
        g_odd = 2 * k + 1
        wait_write(0)
        start_gather(g_odd + 1, 0)
        wait_gather(1)
        start_write(g_odd, 1)
        g_even = 2 * k + 2
        wait_write(1)
        start_gather(g_even + 1, 1)
        wait_gather(0)
        start_write(g_even, 0)
        return carry

    lax.fori_loop(0, NCH // 2 - 1, lbody, 0)

    wait_write(0)
    wait_gather(1)
    start_write(NCH - 1, 1)
    wait_write(1)


@functools.partial(
    pl.kernel,
    mesh=plsc.VectorSubcoreMesh(core_axis_name="c", subcore_axis_name="s"),
    out_type=jax.ShapeDtypeStruct((ROWS, D), jnp.float32),
    compiler_params=pltpu.CompilerParams(use_tc_tiling_on_sc=False),
    scratch_types=[
        pltpu.VMEM((BPW,), jnp.int32),
        pltpu.VMEM((CHUNK, D), jnp.float32),
        pltpu.VMEM((CHUNK, D), jnp.float32),
        pltpu.SemaphoreType.DMA,
        pltpu.SemaphoreType.DMA,
        pltpu.SemaphoreType.DMA,
        pltpu.SemaphoreType.DMA,
    ],
)
def _gather(tok_hbm, idx_hbm, out_hbm, idx_v, buf0, buf1,
            semg0, semg1, semw0, semw1):
    _gather_body(tok_hbm, idx_hbm, out_hbm, idx_v, buf0, buf1,
                 semg0, semg1, semw0, semw1)


def _proj_body(emb_ref, w_ref, pos_ref, b_ref, out_ref):
    t = pl.program_id(0)
    e_bf = emb_ref[0].astype(jnp.bfloat16)
    w_bf = w_ref[...].astype(jnp.bfloat16)
    pos_bf = pos_ref[pl.ds(t, 1), :].astype(jnp.bfloat16)
    r = lax.dot_general(w_bf, e_bf, (((0,), (1,)), ((), ())),
                        preferred_element_type=jnp.float32)
    r2 = lax.dot_general(w_bf, pos_bf, (((0,), (1,)), ((), ())),
                         preferred_element_type=jnp.float32)
    out_ref[0] = r + r2 + b_ref[...]


def _project(emb3, w, pos, b_col):
    return pl.pallas_call(
        _proj_body,
        grid=(T, B // BB),
        in_specs=[
            pl.BlockSpec((1, BB, D), lambda t, j: (t, j, 0)),
            pl.BlockSpec((D, N), lambda t, j: (0, 0)),
            pl.BlockSpec((T, D), lambda t, j: (0, 0)),
            pl.BlockSpec((N, 1), lambda t, j: (0, 0)),
        ],
        out_specs=pl.BlockSpec((1, N, BB), lambda t, j: (t, 0, j)),
        out_shape=jax.ShapeDtypeStruct((T, N, B), jnp.float32),
    )(emb3, w, pos, b_col)


def kernel(idx, token_embed_table, pos_embed_table, lm_head_w, lm_head_b):
    idx = idx[:, -T:]
    idx_t = jnp.transpose(idx).reshape(ROWS).astype(jnp.int32)
    emb = _gather(token_embed_table, idx_t)
    emb3 = emb.reshape(T, B, D)
    out_t = _project(emb3, lm_head_w, pos_embed_table,
                     lm_head_b.reshape(N, 1))
    return jnp.transpose(out_t, (2, 0, 1))

# --- scband reference (transcript-rebuilt; emitter-appended) ---
"""Pipeline reference for scband-bigram-language-model2-12206297055677 (READ-ONLY COPY).

The authoritative reference and input builder live on the scoring server;
editing this copy changes nothing except your own understanding.
"""

import jax, jax.numpy as jnp
import numpy as np

BLOCK_SIZE = 8
N_EMBED = 64
VOCAB_SIZE = 1000
BATCH = 16384

def setup_inputs(seed: int = 0) -> dict:
    key = jax.random.key(seed)
    k1, k2, k3, k4, k5 = jax.random.split(key, 5)
    idx = jax.random.randint(k1, (BATCH, BLOCK_SIZE), 0, VOCAB_SIZE, dtype=jnp.int64 if jax.config.jax_enable_x64 else jnp.int32)
    token_embed_table = jax.random.normal(k2, (VOCAB_SIZE, N_EMBED), dtype=jnp.float32) * 0.02
    pos_embed_table = jax.random.normal(k3, (BLOCK_SIZE, N_EMBED), dtype=jnp.float32) * 0.02
    lm_head_w = jax.random.normal(k4, (N_EMBED, VOCAB_SIZE), dtype=jnp.float32) * (1.0 / np.sqrt(N_EMBED))
    lm_head_b = jax.random.normal(k5, (VOCAB_SIZE,), dtype=jnp.float32) * 0.01
    return {"idx": idx, "token_embed_table": token_embed_table, "pos_embed_table": pos_embed_table, "lm_head_w": lm_head_w, "lm_head_b": lm_head_b}

def reference(idx, token_embed_table, pos_embed_table, lm_head_w, lm_head_b):
    idx = idx[:, -BLOCK_SIZE:]
    B, T = idx.shape
    token_emb = jnp.take(token_embed_table, idx, axis=0)  # [B, T, n_embed]
    pos_emb = jnp.take(pos_embed_table, jnp.arange(T), axis=0)  # [T, n_embed]
    emb = token_emb + pos_emb[None, :, :]
    logits = jnp.dot(emb, lm_head_w) + lm_head_b
    return logits

if __name__ == "__main__":
    import jax
    _d = setup_inputs()
    print(jax.jit(kernel)(*tuple(_d.values())))

</pallas_src>

<mosaic_0001>
#map = affine_map<(d0, d1) -> (0, 0)>
#map1 = affine_map<(d0, d1) -> (0)>
module attributes {stable_mosaic.version = 14 : i64} {
  func.func @_gather(%arg0: i32, %arg1: i32, %arg2: memref<1000x64xf32, #tpu.memory_space<hbm>>, %arg3: memref<131072xi32, #tpu.memory_space<hbm>>, %arg4: memref<131072x64xf32, #tpu.memory_space<hbm>>, %arg5: memref<4096xi32, #tpu.memory_space<vmem>>, %arg6: memref<128x64xf32, #tpu.memory_space<vmem>>, %arg7: memref<128x64xf32, #tpu.memory_space<vmem>>, %arg8: memref<!tpu.dma_semaphore, #tpu.memory_space<semaphore_mem>>, %arg9: memref<!tpu.dma_semaphore, #tpu.memory_space<semaphore_mem>>, %arg10: memref<!tpu.dma_semaphore, #tpu.memory_space<semaphore_mem>>, %arg11: memref<!tpu.dma_semaphore, #tpu.memory_space<semaphore_mem>>) attributes {dimension_semantics = [#tpu.dimension_semantics<core_parallel>, #tpu.dimension_semantics<subcore_parallel>], iteration_bounds = array<i64: 2, 16>, scalar_prefetch = 0 : i64, scratch_operands = 7 : i64, tpu.core_type = #tpu.core_type<sc_vector_subcore>, window_params = [{transform_indices = #map}, {transform_indices = #map1}, {transform_indices = #map}]} {
    %mul3A = arith.constant 2 : i32
    %mul3A_0 = arith.muli %arg1, %mul3A : i32
    %add3A = arith.addi %mul3A_0, %arg0 : i32
    %mul3A_1 = arith.constant 4096 : i32
    %mul3A_2 = arith.muli %add3A, %mul3A_1 : i32
    "tpu.region"() ({
      %run_scoped3A = tpu.sem_alloc : memref<!tpu.dma_semaphore, #tpu.memory_space<semaphore_mem>>
      %dma_start3A_46 = tpu.memref_slice %arg3[%mul3A_2] : memref<131072xi32, #tpu.memory_space<hbm>> -> memref<4096xi32, #tpu.memory_space<hbm>>
      %dma_start3A_47 = tpu.memref_slice %arg3[%mul3A_2] : memref<131072xi32, #tpu.memory_space<hbm>> -> memref<4096xi32, #tpu.memory_space<hbm>>
      tpu.enqueue_dma source(%dma_start3A_47 : memref<4096xi32, #tpu.memory_space<hbm>>) target(%arg5 : memref<4096xi32, #tpu.memory_space<vmem>>) target_semaphore(%run_scoped3A : memref<!tpu.dma_semaphore, #tpu.memory_space<semaphore_mem>>)
      %dma_wait3A_48 = tpu.memref_slice %arg3[%mul3A_2] : memref<131072xi32, #tpu.memory_space<hbm>> -> memref<4096xi32, #tpu.memory_space<hbm>>
      %dma_wait3A_49 = tpu.memref_slice %arg3[%mul3A_2] : memref<131072xi32, #tpu.memory_space<hbm>> -> memref<4096xi32, #tpu.memory_space<hbm>>
      tpu.wait_dma2 semaphore(%run_scoped3A : memref<!tpu.dma_semaphore, #tpu.memory_space<semaphore_mem>>) src(%dma_wait3A_49 : memref<4096xi32, #tpu.memory_space<hbm>>) dst(%arg5 : memref<4096xi32, #tpu.memory_space<vmem>>)
      tpu.yield
    }) : () -> ()
    %dma_start3A = arith.constant 0 : i32
    %dma_start3A_3 = tpu.memref_slice %arg5[%dma_start3A] : memref<4096xi32, #tpu.memory_space<vmem>> -> memref<128xi32, #tpu.memory_space<vmem>>
    %dma_start3A_4 = arith.constant 0 : i32
    %dma_start3A_5 = arith.constant 0 : i32
    %dma_start3A_6 = tpu.memref_slice %arg2[%dma_start3A_4, %dma_start3A_5] : memref<1000x64xf32, #tpu.memory_space<hbm>> -> memref<1000x64xf32, #tpu.memory_space<hbm>>
    tpu.enqueue_indirect_dma source(%dma_start3A_6 : memref<1000x64xf32, #tpu.memory_space<hbm>>) target(%arg6 : memref<128x64xf32, #tpu.memory_space<vmem>>) offsets(%dma_start3A_3 : memref<128xi32, #tpu.memory_space<vmem>>) semaphore(%arg8 : memref<!tpu.dma_semaphore, #tpu.memory_space<semaphore_mem>>)
    %dma_wait3A = arith.constant 0 : i32
    %dma_wait3A_7 = tpu.memref_slice %arg5[%dma_wait3A] : memref<4096xi32, #tpu.memory_space<vmem>> -> memref<128xi32, #tpu.memory_space<vmem>>
    %dma_wait3A_8 = arith.constant 0 : i32
    %dma_wait3A_9 = arith.constant 0 : i32
    %dma_wait3A_10 = tpu.memref_slice %arg2[%dma_wait3A_8, %dma_wait3A_9] : memref<1000x64xf32, #tpu.memory_space<hbm>> -> memref<1000x64xf32, #tpu.memory_space<hbm>>
    tpu.wait_indirect_dma semaphore(%arg8 : memref<!tpu.dma_semaphore, #tpu.memory_space<semaphore_mem>>) src(%dma_wait3A_10 : memref<1000x64xf32, #tpu.memory_space<hbm>>) dst(%arg6 : memref<128x64xf32, #tpu.memory_space<vmem>>)
    %dma_start3A_11 = arith.constant 128 : i32
    %dma_start3A_12 = tpu.memref_slice %arg5[%dma_start3A_11] : memref<4096xi32, #tpu.memory_space<vmem>> -> memref<128xi32, #tpu.memory_space<vmem>>
    %dma_start3A_13 = arith.constant 0 : i32
    %dma_start3A_14 = arith.constant 0 : i32
    %dma_start3A_15 = tpu.memref_slice %arg2[%dma_start3A_13, %dma_start3A_14] : memref<1000x64xf32, #tpu.memory_space<hbm>> -> memref<1000x64xf32, #tpu.memory_space<hbm>>
    tpu.enqueue_indirect_dma source(%dma_start3A_15 : memref<1000x64xf32, #tpu.memory_space<hbm>>) target(%arg7 : memref<128x64xf32, #tpu.memory_space<vmem>>) offsets(%dma_start3A_12 : memref<128xi32, #tpu.memory_space<vmem>>) semaphore(%arg9 : memref<!tpu.dma_semaphore, #tpu.memory_space<semaphore_mem>>)
    %add3A_16 = arith.constant 0 : i32
    %add3A_17 = arith.addi %mul3A_2, %add3A_16 : i32
    %dma_start3A_18 = arith.constant 0 : i32
    %dma_start3A_19 = tpu.memref_slice %arg4[%add3A_17, %dma_start3A_18] : memref<131072x64xf32, #tpu.memory_space<hbm>> -> memref<128x64xf32, #tpu.memory_space<hbm>>
    %dma_start3A_20 = arith.constant 0 : i32
    %dma_start3A_21 = tpu.memref_slice %arg4[%add3A_17, %dma_start3A_20] : memref<131072x64xf32, #tpu.memory_space<hbm>> -> memref<128x64xf32, #tpu.memory_space<hbm>>
    tpu.enqueue_dma source(%arg6 : memref<128x64xf32, #tpu.memory_space<vmem>>) target(%dma_start3A_21 : memref<128x64xf32, #tpu.memory_space<hbm>>) target_semaphore(%arg10 : memref<!tpu.dma_semaphore, #tpu.memory_space<semaphore_mem>>)
    %scan3A = arith.constant 0 : i32
    %scan3A_22 = arith.constant 0 : i32
    %scan3A_23 = arith.constant 15 : i32
    %scan3A_24 = arith.addi %scan3A_22, %scan3A_23 : i32
    %scan3A_25 = arith.constant 1 : i32
    scf.for %scan3A_46 = %scan3A_22 to %scan3A_24 step %scan3A_25  : i32 {
      %mul3A_47 = arith.constant 2 : i32
      %mul3A_48 = arith.muli %mul3A_47, %scan3A_46 : i32
      %add3A_49 = arith.constant 1 : i32
      %add3A_50 = arith.addi %mul3A_48, %add3A_49 : i32
      %dma_wait3A_51 = arith.constant 0 : i32
      %dma_wait3A_52 = tpu.memref_slice %arg4[%mul3A_2, %dma_wait3A_51] : memref<131072x64xf32, #tpu.memory_space<hbm>> -> memref<128x64xf32, #tpu.memory_space<hbm>>
      %dma_wait3A_53 = arith.constant 0 : i32
      %dma_wait3A_54 = tpu.memref_slice %arg4[%mul3A_2, %dma_wait3A_53] : memref<131072x64xf32, #tpu.memory_space<hbm>> -> memref<128x64xf32, #tpu.memory_space<hbm>>
      tpu.wait_dma2 semaphore(%arg10 : memref<!tpu.dma_semaphore, #tpu.memory_space<semaphore_mem>>) src(%arg6 : memref<128x64xf32, #tpu.memory_space<vmem>>) dst(%dma_wait3A_54 : memref<128x64xf32, #tpu.memory_space<hbm>>)
      %add3A_55 = arith.constant 1 : i32
      %add3A_56 = arith.addi %add3A_50, %add3A_55 : i32
      %mul3A_57 = arith.constant 128 : i32
      %mul3A_58 = arith.muli %add3A_56, %mul3A_57 : i32
      %dma_start3A_59 = tpu.memref_slice %arg5[%mul3A_58] : memref<4096xi32, #tpu.memory_space<vmem>> -> memref<128xi32, #tpu.memory_space<vmem>>
      %dma_start3A_60 = arith.constant 0 : i32
      %dma_start3A_61 = arith.constant 0 : i32
      %dma_start3A_62 = tpu.memref_slice %arg2[%dma_start3A_60, %dma_start3A_61] : memref<1000x64xf32, #tpu.memory_space<hbm>> -> memref<1000x64xf32, #tpu.memory_space<hbm>>
      tpu.enqueue_indirect_dma source(%dma_start3A_62 : memref<1000x64xf32, #tpu.memory_space<hbm>>) target(%arg6 : memref<128x64xf32, #tpu.memory_space<vmem>>) offsets(%dma_start3A_59 : memref<128xi32, #tpu.memory_space<vmem>>) semaphore(%arg8 : memref<!tpu.dma_semaphore, #tpu.memory_space<semaphore_mem>>)
      %dma_wait3A_63 = arith.constant 0 : i32
      %dma_wait3A_64 = tpu.memref_slice %arg5[%dma_wait3A_63] : memref<4096xi32, #tpu.memory_space<vmem>> -> memref<128xi32, #tpu.memory_space<vmem>>
      %dma_wait3A_65 = arith.constant 0 : i32
      %dma_wait3A_66 = arith.constant 0 : i32
      %dma_wait3A_67 = tpu.memref_slice %arg2[%dma_wait3A_65, %dma_wait3A_66] : memref<1000x64xf32, #tpu.memory_space<hbm>> -> memref<1000x64xf32, #tpu.memory_space<hbm>>
      tpu.wait_indirect_dma semaphore(%arg9 : memref<!tpu.dma_semaphore, #tpu.memory_space<semaphore_mem>>) src(%dma_wait3A_67 : memref<1000x64xf32, #tpu.memory_space<hbm>>) dst(%arg7 : memref<128x64xf32, #tpu.memory_space<vmem>>)
      %mul3A_68 = arith.constant 128 : i32
      %mul3A_69 = arith.muli %add3A_50, %mul3A_68 : i32
      %add3A_70 = arith.addi %mul3A_2, %mul3A_69 : i32
      %dma_start3A_71 = arith.constant 0 : i32
      %dma_start3A_72 = tpu.memref_slice %arg4[%add3A_70, %dma_start3A_71] : memref<131072x64xf32, #tpu.memory_space<hbm>> -> memref<128x64xf32, #tpu.memory_space<hbm>>
      %dma_start3A_73 = arith.constant 0 : i32
      %dma_start3A_74 = tpu.memref_slice %arg4[%add3A_70, %dma_start3A_73] : memref<131072x64xf32, #tpu.memory_space<hbm>> -> memref<128x64xf32, #tpu.memory_space<hbm>>
      tpu.enqueue_dma source(%arg7 : memref<128x64xf32, #tpu.memory_space<vmem>>) target(%dma_start3A_74 : memref<128x64xf32, #tpu.memory_space<hbm>>) target_semaphore(%arg11 : memref<!tpu.dma_semaphore, #tpu.memory_space<semaphore_mem>>)
      %mul3A_75 = arith.constant 2 : i32
      %mul3A_76 = arith.muli %mul3A_75, %scan3A_46 : i32
      %add3A_77 = arith.constant 2 : i32
      %add3A_78 = arith.addi %mul3A_76, %add3A_77 : i32
      %dma_wait3A_79 = arith.constant 0 : i32
      %dma_wait3A_80 = tpu.memref_slice %arg4[%mul3A_2, %dma_wait3A_79] : memref<131072x64xf32, #tpu.memory_space<hbm>> -> memref<128x64xf32, #tpu.memory_space<hbm>>
      %dma_wait3A_81 = arith.constant 0 : i32
      %dma_wait3A_82 = tpu.memref_slice %arg4[%mul3A_2, %dma_wait3A_81] : memref<131072x64xf32, #tpu.memory_space<hbm>> -> memref<128x64xf32, #tpu.memory_space<hbm>>
      tpu.wait_dma2 semaphore(%arg11 : memref<!tpu.dma_semaphore, #tpu.memory_space<semaphore_mem>>) src(%arg7 : memref<128x64xf32, #tpu.memory_space<vmem>>) dst(%dma_wait3A_82 : memref<128x64xf32, #tpu.memory_space<hbm>>)
      %add3A_83 = arith.constant 1 : i32
      %add3A_84 = arith.addi %add3A_78, %add3A_83 : i32
      %mul3A_85 = arith.constant 128 : i32
      %mul3A_86 = arith.muli %add3A_84, %mul3A_85 : i32
      %dma_start3A_87 = tpu.memref_slice %arg5[%mul3A_86] : memref<4096xi32, #tpu.memory_space<vmem>> -> memref<128xi32, #tpu.memory_space<vmem>>
      %dma_start3A_88 = arith.constant 0 : i32
      %dma_start3A_89 = arith.constant 0 : i32
      %dma_start3A_90 = tpu.memref_slice %arg2[%dma_start3A_88, %dma_start3A_89] : memref<1000x64xf32, #tpu.memory_space<hbm>> -> memref<1000x64xf32, #tpu.memory_space<hbm>>
      tpu.enqueue_indirect_dma source(%dma_start3A_90 : memref<1000x64xf32, #tpu.memory_space<hbm>>) target(%arg7 : memref<128x64xf32, #tpu.memory_space<vmem>>) offsets(%dma_start3A_87 : memref<128xi32, #tpu.memory_space<vmem>>) semaphore(%arg9 : memref<!tpu.dma_semaphore, #tpu.memory_space<semaphore_mem>>)
      %dma_wait3A_91 = arith.constant 0 : i32
      %dma_wait3A_92 = tpu.memref_slice %arg5[%dma_wait3A_91] : memref<4096xi32, #tpu.memory_space<vmem>> -> memref<128xi32, #tpu.memory_space<vmem>>
      %dma_wait3A_93 = arith.constant 0 : i32
      %dma_wait3A_94 = arith.constant 0 : i32
      %dma_wait3A_95 = tpu.memref_slice %arg2[%dma_wait3A_93, %dma_wait3A_94] : memref<1000x64xf32, #tpu.memory_space<hbm>> -> memref<1000x64xf32, #tpu.memory_space<hbm>>
      tpu.wait_indirect_dma semaphore(%arg8 : memref<!tpu.dma_semaphore, #tpu.memory_space<semaphore_mem>>) src(%dma_wait3A_95 : memref<1000x64xf32, #tpu.memory_space<hbm>>) dst(%arg6 : memref<128x64xf32, #tpu.memory_space<vmem>>)
      %mul3A_96 = arith.constant 128 : i32
      %mul3A_97 = arith.muli %add3A_78, %mul3A_96 : i32
      %add3A_98 = arith.addi %mul3A_2, %mul3A_97 : i32
      %dma_start3A_99 = arith.constant 0 : i32
      %dma_start3A_100 = tpu.memref_slice %arg4[%add3A_98, %dma_start3A_99] : memref<131072x64xf32, #tpu.memory_space<hbm>> -> memref<128x64xf32, #tpu.memory_space<hbm>>
      %dma_start3A_101 = arith.constant 0 : i32
      %dma_start3A_102 = tpu.memref_slice %arg4[%add3A_98, %dma_start3A_101] : memref<131072x64xf32, #tpu.memory_space<hbm>> -> memref<128x64xf32, #tpu.memory_space<hbm>>
      tpu.enqueue_dma source(%arg6 : memref<128x64xf32, #tpu.memory_space<vmem>>) target(%dma_start3A_102 : memref<128x64xf32, #tpu.memory_space<hbm>>) target_semaphore(%arg10 : memref<!tpu.dma_semaphore, #tpu.memory_space<semaphore_mem>>)
    }
    %scan3A_26 = arith.constant 15 : i32
    %dma_wait3A_27 = arith.constant 0 : i32
    %dma_wait3A_28 = tpu.memref_slice %arg4[%mul3A_2, %dma_wait3A_27] : memref<131072x64xf32, #tpu.memory_space<hbm>> -> memref<128x64xf32, #tpu.memory_space<hbm>>
    %dma_wait3A_29 = arith.constant 0 : i32
    %dma_wait3A_30 = tpu.memref_slice %arg4[%mul3A_2, %dma_wait3A_29] : memref<131072x64xf32, #tpu.memory_space<hbm>> -> memref<128x64xf32, #tpu.memory_space<hbm>>
    tpu.wait_dma2 semaphore(%arg10 : memref<!tpu.dma_semaphore, #tpu.memory_space<semaphore_mem>>) src(%arg6 : memref<128x64xf32, #tpu.memory_space<vmem>>) dst(%dma_wait3A_30 : memref<128x64xf32, #tpu.memory_space<hbm>>)
    %dma_wait3A_31 = arith.constant 0 : i32
    %dma_wait3A_32 = tpu.memref_slice %arg5[%dma_wait3A_31] : memref<4096xi32, #tpu.memory_space<vmem>> -> memref<128xi32, #tpu.memory_space<vmem>>
    %dma_wait3A_33 = arith.constant 0 : i32
    %dma_wait3A_34 = arith.constant 0 : i32
    %dma_wait3A_35 = tpu.memref_slice %arg2[%dma_wait3A_33, %dma_wait3A_34] : memref<1000x64xf32, #tpu.memory_space<hbm>> -> memref<1000x64xf32, #tpu.memory_space<hbm>>
    tpu.wait_indirect_dma semaphore(%arg9 : memref<!tpu.dma_semaphore, #tpu.memory_space<semaphore_mem>>) src(%dma_wait3A_35 : memref<1000x64xf32, #tpu.memory_space<hbm>>) dst(%arg7 : memref<128x64xf32, #tpu.memory_space<vmem>>)
    %add3A_36 = arith.constant 3968 : i32
    %add3A_37 = arith.addi %mul3A_2, %add3A_36 : i32
    %dma_start3A_38 = arith.constant 0 : i32
    %dma_start3A_39 = tpu.memref_slice %arg4[%add3A_37, %dma_start3A_38] : memref<131072x64xf32, #tpu.memory_space<hbm>> -> memref<128x64xf32, #tpu.memory_space<hbm>>
    %dma_start3A_40 = arith.constant 0 : i32
    %dma_start3A_41 = tpu.memref_slice %arg4[%add3A_37, %dma_start3A_40] : memref<131072x64xf32, #tpu.memory_space<hbm>> -> memref<128x64xf32, #tpu.memory_space<hbm>>
    tpu.enqueue_dma source(%arg7 : memref<128x64xf32, #tpu.memory_space<vmem>>) target(%dma_start3A_41 : memref<128x64xf32, #tpu.memory_space<hbm>>) target_semaphore(%arg11 : memref<!tpu.dma_semaphore, #tpu.memory_space<semaphore_mem>>)
    %dma_wait3A_42 = arith.constant 0 : i32
    %dma_wait3A_43 = tpu.memref_slice %arg4[%mul3A_2, %dma_wait3A_42] : memref<131072x64xf32, #tpu.memory_space<hbm>> -> memref<128x64xf32, #tpu.memory_space<hbm>>
    %dma_wait3A_44 = arith.constant 0 : i32
    %dma_wait3A_45 = tpu.memref_slice %arg4[%mul3A_2, %dma_wait3A_44] : memref<131072x64xf32, #tpu.memory_space<hbm>> -> memref<128x64xf32, #tpu.memory_space<hbm>>
    tpu.wait_dma2 semaphore(%arg11 : memref<!tpu.dma_semaphore, #tpu.memory_space<semaphore_mem>>) src(%arg7 : memref<128x64xf32, #tpu.memory_space<vmem>>) dst(%dma_wait3A_45 : memref<128x64xf32, #tpu.memory_space<hbm>>)
    return
  }
}

module attributes {stable_mosaic.version = 14 : i64} {
  func.func @_proj_body(%arg0: i32, %arg1: i32, %arg2: memref<1x1024x64xf32, #tpu.memory_space<vmem>>, %arg3: memref<64x1000xf32, #tpu.memory_space<vmem>>, %arg4: memref<8x64xf32, #tpu.memory_space<vmem>>, %arg5: memref<1000x1xf32, #tpu.memory_space<vmem>>, %arg6: memref<1x1000x1024xf32, #tpu.memory_space<vmem>>) attributes {dimension_semantics = [#tpu.dimension_semantics<arbitrary>, #tpu.dimension_semantics<arbitrary>], iteration_bounds = array<i64: 8, 16>, scalar_prefetch = 0 : i64, scratch_operands = 0 : i64, tpu.core_type = #tpu.core_type<tc>, window_params = [{transform_indices = @transform_0, window_bounds = array<i64: 1, 1024, 64>}, {pipeline_mode = #tpu.pipeline_mode<synchronous>, transform_indices = @transform_1, window_bounds = array<i64: 64, 1000>}, {pipeline_mode = #tpu.pipeline_mode<synchronous>, transform_indices = @transform_2, window_bounds = array<i64: 8, 64>}, {pipeline_mode = #tpu.pipeline_mode<synchronous>, transform_indices = @transform_3, window_bounds = array<i64: 1000, 1>}, {transform_indices = @transform_4, window_bounds = array<i64: 1, 1000, 1024>}]} {
    %get3A = arith.constant 0 : index
    %get3A_0 = arith.constant 0 : index
    %get3A_1 = arith.constant 0 : index
    %get3A_2 = vector.load %arg2[%get3A, %get3A_0, %get3A_1] : memref<1x1024x64xf32, #tpu.memory_space<vmem>>, vector<1x1024x64xf32>
    %get3A_3 = vector.shape_cast %get3A_2 : vector<1x1024x64xf32> to vector<1024x64xf32>
    %convert_element_type3A = arith.truncf %get3A_3 : vector<1024x64xf32> to vector<1024x64xbf16>
    %get3A_4 = arith.constant 0 : index
    %get3A_5 = arith.constant 0 : index
    %get3A_6 = vector.load %arg3[%get3A_4, %get3A_5] : memref<64x1000xf32, #tpu.memory_space<vmem>>, vector<64x1000xf32>
    %convert_element_type3A_7 = arith.truncf %get3A_6 : vector<64x1000xf32> to vector<64x1000xbf16>
    %get3A_8 = arith.index_cast %arg0 : i32 to index
    %get3A_9 = arith.constant 0 : index
    %get3A_10 = vector.load %arg4[%get3A_8, %get3A_9] : memref<8x64xf32, #tpu.memory_space<vmem>>, vector<1x64xf32>
    %convert_element_type3A_11 = arith.truncf %get3A_10 : vector<1x64xf32> to vector<1x64xbf16>
    %dot_general3A = arith.constant dense<0.000000e+00> : vector<1000x1024xf32>
    %dot_general3A_12 = tpu.matmul %convert_element_type3A_7, %convert_element_type3A, %dot_general3A {dimension_numbers = #tpu.dot_dimension_numbers<[0], [1], [1], [0], [0, 1, 1, 0], [], []>, transpose_lhs_hint = false} : vector<64x1000xbf16>, vector<1024x64xbf16>, vector<1000x1024xf32> -> vector<1000x1024xf32>
    %dot_general3A_13 = arith.constant dense<0.000000e+00> : vector<1000x1xf32>
    %dot_general3A_14 = tpu.matmul %convert_element_type3A_7, %convert_element_type3A_11, %dot_general3A_13 {dimension_numbers = #tpu.dot_dimension_numbers<[0], [1], [1], [0], [0, 1, 1, 0], [], []>, transpose_lhs_hint = false} : vector<64x1000xbf16>, vector<1x64xbf16>, vector<1000x1xf32> -> vector<1000x1xf32>
    %add3A = vector.broadcast %dot_general3A_14 : vector<1000x1xf32> to vector<1000x1024xf32>
    %add3A_15 = arith.addf %dot_general3A_12, %add3A : vector<1000x1024xf32>
    %get3A_16 = arith.constant 0 : index
    %get3A_17 = arith.constant 0 : index
    %get3A_18 = vector.load %arg5[%get3A_16, %get3A_17] : memref<1000x1xf32, #tpu.memory_space<vmem>>, vector<1000x1xf32>
    %add3A_19 = vector.broadcast %get3A_18 : vector<1000x1xf32> to vector<1000x1024xf32>
    %add3A_20 = arith.addf %add3A_15, %add3A_19 : vector<1000x1024xf32>
    %swap3A = arith.constant 0 : index
    %swap3A_21 = arith.constant 0 : index
    %swap3A_22 = arith.constant 0 : index
    %swap3A_23 = vector.load %arg6[%swap3A, %swap3A_21, %swap3A_22] : memref<1x1000x1024xf32, #tpu.memory_space<vmem>>, vector<1x1000x1024xf32>
    %swap3A_24 = vector.shape_cast %swap3A_23 : vector<1x1000x1024xf32> to vector<1000x1024xf32>
    %swap3A_25 = vector.shape_cast %add3A_20 : vector<1000x1024xf32> to vector<1x1000x1024xf32>
    tpu.vector_store %arg6[%swap3A, %swap3A_21, %swap3A_22], %swap3A_25 {strides = array<i32>} : memref<1x1000x1024xf32, #tpu.memory_space<vmem>>, vector<1x1000x1024xf32>,
    return
  }
  func.func @transform_0(%arg0: i32, %arg1: i32) -> (i32, i32, i32) {
    %c0_i32 = arith.constant 0 : i32
    %c0_i32_0 = arith.constant 0 : i32
    return %arg0, %arg1, %c0_i32 : i32, i32, i32
  }
  func.func @transform_1(%arg0: i32, %arg1: i32) -> (i32, i32) {
    %c0_i32 = arith.constant 0 : i32
    %c0_i32_0 = arith.constant 0 : i32
    %c0_i32_1 = arith.constant 0 : i32
    return %c0_i32, %c0_i32_0 : i32, i32
  }
  func.func @transform_2(%arg0: i32, %arg1: i32) -> (i32, i32) {
    %c0_i32 = arith.constant 0 : i32
    %c0_i32_0 = arith.constant 0 : i32
    %c0_i32_1 = arith.constant 0 : i32
    return %c0_i32, %c0_i32_0 : i32, i32
  }
  func.func @transform_3(%arg0: i32, %arg1: i32) -> (i32, i32) {
    %c0_i32 = arith.constant 0 : i32
    %c0_i32_0 = arith.constant 0 : i32
    %c0_i32_1 = arith.constant 0 : i32
    return %c0_i32, %c0_i32_0 : i32, i32
  }
  func.func @transform_4(%arg0: i32, %arg1: i32) -> (i32, i32, i32) {
    %c0_i32 = arith.constant 0 : i32
    %c0_i32_0 = arith.constant 0 : i32
    return %arg0, %c0_i32, %arg1 : i32, i32, i32
  }
}

</mosaic_0001>

<sc_bundles>
// kernel: kernel.4.cloned.1.call-start
scs
__scs_entry_jumppad:
0x0: {  	(pc) =	sbr.rel $0x88, $3  }
0x1: {  	(tag) =	ssettag $0x0;
	lr =	simm.s32 $0x1  }
0x2: {  	[smem:$0x3F9C] =	sst lr;
	_ =	strace $0xD0000000  }
0x3: {  	_ = 	snop  }
0x4: {  	_ = 	snop  }
0x5: {  	_ = 	snop  }
0x6: {  	_ = 	snop  }
0x7: {  	_ = 	snop  }
__scs_overlays_trampoline_lowered:
0x8: {  	[smem:$0x3FAB] =	sst s0  }
0x9: {  	[smem:$0x3FAC] =	sst s1  }
0xa: {  	[smem:$0x3FAD] =	sst s2  }
0xb: {  	[smem:$0x3FAE] =	sst s3  }
0xc: {  	[smem:$0x3FAF] =	sst s4  }
0xd: {  	[smem:$0x3FB0] =	sst s5  }
0xe: {  	[smem:$0x3FB1] =	sst s6  }
0xf: {  	[smem:$0x3FB2] =	sst s7  }
0x10: {  	[smem:$0x3FB3] =	sst s8  }
0x11: {  	[smem:$0x3FB4] =	sst s9;
	s0 =	simm.s32 @!p0 $0x0  }
0x12: {  	s1 =	sld [smem:$0x3F9A];
	s0 =	simm.s32 @p0 $0x1  }
0x13: {  	[smem:$0x3FB5] =	sst s0;
	s0 =	simm.s32 @!p1 $0x0  }
0x14: {  	s2 =	sld [smem:$0x3F99];
	s0 =	simm.s32 @p1 $0x1  }
0x15: {  	[smem:$0x3FB6] =	sst s0;
	s0 =	simm.s32 @!p2 $0x0  }
0x16: {  	s3 =	sld [smem:$0x3FDB];
	s0 =	simm.s32 @p2 $0x1  }
0x17: {  	s4 =	simm.s32 $0x1BF5;
	[smem:$0x3FB8] =	sst s0  }
0x18: {  	s0 =	sld [smem:$0x3F9B];
	_ =	swait.ge [sflag:s4], $0x0  }
0x19: {  	s7 =	sld [smem:$0x3F9C]  }
0x1a: {  	s8 =	sadd.s32 $0xFFFFE003, lr  }
0x1b: {  	s9 =	sadd.s32 $0xFFFFFEF7, lr;
	s5 =	simm.s32 $0xFFFFFFFF;
	p2 =	slt.u32 s8, $0xFFFFF086  }
0x1c: {  	p1 =	slt.u32 s9, $0xF7A;
	s5 =	simm.s32 @!p2 $0x0  }
0x1d: {  	s5 =	simm.s32 @p1 $0x1;
	p0 =	seq.s32 s7, s2  }
0x1e: {  	s7 =	smul.u32 @!p0 $0xF7A, s2;
	p2 =	seq.s32 @!p0 s5, $0x0  }
0x1f: {  	s9 =	smul.u32 $0xF7A, s1;
	s8 =	simm.s32 @!p0 $0x1BF5;
	p2 =	por !p2, p0  }
0x20: {  	[sflag:s8] =	ssyncset.s32 @!p0 $0xFFFFF086;
	s6 =	sadd.s32 @!p0 s3, s7;
	s7 =	simm.s32 @!p0 $0x108  }
0x21: {  	s3 =	sadd.s32 s3, s9;
	s6 =	sadd.s32 @!p0 $0x88, s6;
	s7 =	simm.s32 @p2 $0x1082  }
0x22: {  	[simem:s7], [sflag:s8] =	dma.local @!p0 [hbm:s6], $0xF7A  }
0x23: {  	s9 =	sor.u32 $0xD0000000, s2;
	s6 =	simm.s32 $0x108;
	_ =	swait.ge @!p0 [sflag:s8], $0x0  }
0x24: {  	s3 =	sadd.s32 $0x88, s3;
	s6 =	simm.s32 @!p1 $0x1082;
	[sflag:s4] =	ssyncset.s32 $0xFFFFF086  }
0x25: {  	[simem:s6], [sflag:s4] =	dma.local [hbm:s3], $0xF7A  }
0x26: {  	[smem:$0x3F9C] =	sst s1;
	(tag) =	ssettag s2;
	_ =	strace s9  }
0x27: {  	s1 =	sld [smem:$0x3FAC]  }
0x28: {  	s2 =	sld [smem:$0x3FAD]  }
0x29: {  	s4 =	sld [smem:$0x3FAF]  }
0x2a: {  	p0 =	seq.s32 s5, $0x0;
	s5 =	sld [smem:$0x3FB0]  }
0x2b: {  	s6 =	sld [smem:$0x3FB1]  }
0x2c: {  	s7 =	sld [smem:$0x3FB2]  }
0x2d: {  	s3 =	simm.s32 $0x108;
	s8 =	sld [smem:$0x3FB3]  }
0x2e: {  	s3 =	simm.s32 @!p0 $0x1082;
	s9 =	sld [smem:$0x3FB4]  }
0x2f: {  	lr =	sadd.s32 s0, s3;
	s0 =	sld [smem:$0x3FAB]  }
0x30: {  	s3 =	sld [smem:$0x3FAE]  }
0x31: {  	[smem:$0x3FB7] =	sst s10  }
0x32: {  	s10 =	sld [smem:$0x3FB5];
	_ =	sdelay $0x3  }
0x33: {  	p0 =	seq.s32 s10, $0x1;
	s10 =	sld [smem:$0x3FB7];
	_ =	sdelay $0x3  }
0x34: {  	[smem:$0x3FB7] =	sst s10  }
0x35: {  	s10 =	sld [smem:$0x3FB6];
	_ =	sdelay $0x3  }
0x36: {  	p1 =	seq.s32 s10, $0x1;
	s10 =	sld [smem:$0x3FB7];
	_ =	sdelay $0x3  }
0x37: {  	[smem:$0x3FB7] =	sst s10  }
0x38: {  	s10 =	sld [smem:$0x3FB8]  }
0x39: {  	_ = 	snop;
	(pc) =	sbr.ind lr, $3  }
0x3a: {  	_ = 	snop  }
0x3b: {  	_ = 	snop  }
0x3c: {  	p2 =	seq.s32 s10, $0x1;
	s10 =	sld [smem:$0x3FB7]  }
0x3d: {  	_ =	shalt  }
0x3e: {  	_ =	shalt  }
0x3f: {  	_ =	shalt  }
0x40: {  	_ =	shalt  }
0x41: {  	_ =	shalt  }
0x42: {  	_ =	shalt  }
0x43: {  	_ =	shalt  }
0x44: {  	_ =	shalt  }
0x45: {  	_ =	shalt  }
0x46: {  	_ =	shalt  }
0x47: {  	_ =	shalt  }
0x48: {  	_ =	shalt  }
0x49: {  	_ =	shalt  }
0x4a: {  	_ =	shalt  }
0x4b: {  	_ =	shalt  }
0x4c: {  	_ =	shalt  }
0x4d: {  	_ =	shalt  }
0x4e: {  	_ =	shalt  }
0x4f: {  	_ =	shalt  }
0x50: {  	_ =	shalt  }
0x51: {  	_ =	shalt  }
0x52: {  	_ =	shalt  }
0x53: {  	_ =	shalt  }
0x54: {  	_ =	shalt  }
0x55: {  	_ =	shalt  }
0x56: {  	_ =	shalt  }
0x57: {  	_ =	shalt  }
0x58: {  	_ =	shalt  }
0x59: {  	_ =	shalt  }
0x5a: {  	_ =	shalt  }
0x5b: {  	_ =	shalt  }
0x5c: {  	_ =	shalt  }
0x5d: {  	_ =	shalt  }
0x5e: {  	_ =	shalt  }
0x5f: {  	_ =	shalt  }
0x60: {  	_ =	shalt  }
0x61: {  	_ =	shalt  }
0x62: {  	_ =	shalt  }
0x63: {  	_ =	shalt  }
0x64: {  	_ =	shalt  }
0x65: {  	_ =	shalt  }
0x66: {  	_ =	shalt  }
0x67: {  	_ =	shalt  }
0x68: {  	_ =	shalt  }
0x69: {  	_ =	shalt  }
0x6a: {  	_ =	shalt  }
0x6b: {  	_ =	shalt  }
0x6c: {  	_ =	shalt  }
0x6d: {  	_ =	shalt  }
0x6e: {  	_ =	shalt  }
0x6f: {  	_ =	shalt  }
0x70: {  	_ =	shalt  }
0x71: {  	_ =	shalt  }
0x72: {  	_ =	shalt  }
0x73: {  	_ =	shalt  }
0x74: {  	_ =	shalt  }
0x75: {  	_ =	shalt  }
0x76: {  	_ =	shalt  }
0x77: {  	_ =	shalt  }
0x78: {  	_ =	shalt  }
0x79: {  	_ =	shalt  }
0x7a: {  	_ =	shalt  }
0x7b: {  	_ =	shalt  }
0x7c: {  	_ =	shalt  }
0x7d: {  	_ =	shalt  }
0x7e: {  	_ =	shalt  }
0x7f: {  	_ =	shalt  }
0x80: {  	_ =	shalt  }
0x81: {  	_ =	shalt  }
0x82: {  	_ =	shalt  }
0x83: {  	_ =	shalt  }
0x84: {  	_ =	shalt  }
0x85: {  	_ =	shalt  }
0x86: {  	_ =	shalt  }
0x87: {  	_ =	shalt  }
.Lfunc_end0:
.L_simem_size_0:
called_computation_lowered:
.L_overlay_start_0:
0x88: {  	s2 =	sld [smem:$0x3FD9]  }
0x89: {  	s3 =	sld [smem:$0x3FFE];
	_ =	sdelay $0x1  }
0x8a: {  	s1 =	srdreg.scid  }
0x8b: {  	s0 =	sand.u32 $0x1, s1  }
0x8c: {  	s17 =	sshll.u32 s0, $0xA;
	s2 =	sadd.s32 s3, s2  }
0x8d: {  	s2 =	sadd.s32 s2, s17  }
0x8e: {  	[smem:$0x3FC3] =	sst s2  }
0x8f: {  	_ = 	snop  }
0x90: {  	s2 =	sld [smem:$0x3FD0];
	(tm) =	ssettm $0x1  }
0x91: {  	s18 =	sld [smem:$0x3FFB];
	_ =	sdelay $0x3  }
0x92: {  	_ =	strace s18  }
0x93: {  	s3 =	sld [smem:$0x3FFC];
	_ =	sdelay $0x3  }
0x94: {  	_ =	strace s3  }
0x95: {  	s3 =	sld [smem:$0x3FFD];
	_ =	sdelay $0x3  }
0x96: {  	_ =	strace s3  }
0x97: {  	_ =	strace $0x8FFFFFFF  }
0x98: {  	s19 =	sld [smem:$0x3FDB];
	_ =	sdelay $0x1  }
0x99: {  	s4 =	simm.s32 $_scs_section_size  }
0x9a: {  	s5 =	simm.s32 $_size__tile_overlayer_lowered;
	s6 =	simm.s32 $_tile_overlayer_lowered  }
0x9b: {  	s22 =	simm.s32 $0x1BFF;
	s21 =	sshll.u32 s6, $0x1;
	s3 =	sadd.s32 s4, s19  }
0x9c: {  	s7 =	simm.s32 $0x0;
	s20 =	sshll.u32 s5, $0x1;
	s5 =	sadd.s32 s21, s3  }
0x9d: {  	[timem:s7], [sflag:s22] =	dma.local [hbm:s5], s20  }
0x9e: {  	_ =	swait.ge [sflag:s22], s20  }
0x9f: {  	s4 =	ssub.s32 $0x0, s20;
	[sflag:s22] =	ssyncset.done $0x0  }
0xa0: {  	[sflag:s22] =	ssyncadd.s32 s4;
	_ =	sdelay $0x1  }
0xa1: {  	s23 =	simm.s32 $0x1B8B  }
0xa2: {  	_ =	swait.ge [sflag:s23], $0x1  }
0xa3: {  	[sflag:s23] =	ssyncset.done $0x0  }
0xa4: {  	s25 =	simm.s32 $0x1B8E;
	s24 =	sld [smem:$0x3FFE];
	[sflag:s23] =	ssyncadd.s32 $0xFFFFFFFF  }
0xa5: {  	s26 =	simm.s32 $execute0_lowered;
	[smem:$0x3FD2] =	sst s25  }
0xa6: {  	s5 =	sshll.u32 s26, $0x1;
	_ =	strace $0x80000046;
	[dreg:$0x1] =	wrdreg $0xFFFFFFFF  }
0xa7: {  	s28 =	simm.s32 $_size_execute0_lowered;
	s3 =	sadd.s32 s3, s5;
	[dreg:$0x0] =	wrdreg $0x0  }
0xa8: {  	s5 =	sshll.u32 s28, $0x1;
	[dreg:$0x2] =	wrdreg s3  }
0xa9: {  	[dreg:$0x3] =	wrdreg s5  }
0xaa: {  	[dreg:$0x4] =	wrdreg $0xC0  }
0xab: {  	_ =	task [dreg:s7], $0x5FFFF  }
0xac: {  	[dreg:$0x1] =	wrdreg $0xFFFFFFFF  }
0xad: {  	[dreg:$0x0] =	wrdreg $0x60  }
0xae: {  	[dreg:$0x2] =	wrdreg s24  }
0xaf: {  	[dreg:$0x3] =	wrdreg s2  }
0xb0: {  	[dreg:$0x4] =	wrdreg $0x9  }
0xb1: {  	_ =	task.clear_ibuf [dreg:s7], $0x5FFFF;
	_ =	strace $0x90000046  }
0xb2: {  	s29 =	simm.s32 $0x9;
	_ =	strace $0x80000048  }
0xb3: {  	_ =	swait.ge [sflag:s29], $0x1  }
0xb4: {  	[sflag:s29] =	ssyncadd.s32 $0xFFFFFFFF  }
0xb5: {  	_ =	strace $0x90000048  }
0xb6: {  	_ =	sfence  }
0xb7: {  	s30 =	sld [smem:$0x0];
	_ =	sdelay $0x2  }
0xb8: {  	s31 =	sshll.u32 s1, $0xD;
	s1 =	sshrl.u32 s1, $0x2  }
0xb9: {  	s3 =	sand.u32 $0x4000, s31;
	s1 =	sadd.s32 s1, s30  }
0xba: {  	s0 =	sor.u32 s3, s0;
	s1 =	sshll.u32 s1, $0x11  }
0xbb: {  	s0 =	sor.u32 s1, s0  }
0xbc: {  	s0 =	sadd.s32 $0x8F2B, s0  }
0xbd: {  	[sflag:s0] =	ssyncadd.remote.s32 $0x1  }
0xbe: {  	_ =	sfence.sel $0xFFFF  }
0xbf: {  	[dreg:$0x0] =	wrdreg $0xFFFFFFFF;
	(pc) =	sbr.abs _section_cstart, $3  }
0xc0: {  	[dreg:$0x1] =	wrdreg $0xFFFFFFFF  }
0xc1: {  	_ =	task.clear_ibuf [dreg:s7], $0x2FFFF;
	_ =	strace $0x9FFFFFFF  }
0xc2: {  	(tm) =	ssettm $0x7FFFFFFF  }
0xc3: {  	_ =	shalt  }
tec
execute0_lowered:
.L_overlay_start_1:
0x0: {  	(tag) =	ssettag $0x1  }
0x1: {  	s4 =	rddreg [dreg:$0x0]  }
0x2: {  	s5 =	rddreg [dreg:$0x1]  }
0x3: {  	s0 =	rddreg [dreg:$0x2];
	s3 =	srdreg.scid  }
0x4: {  	s2 =	simm.s32 $0x0;
	s1 =	stileid.u32;
	s11 =	simm.s32 $0x1000  }
0x5: {  	s12 =	simm.s32 $0x1;
	s13 =	simm.s32 $0x3000;
	s14 =	simm.s32 $0x3  }
0x6: {  	s15 =	simm.s32 $0x2;
	s16 =	simm.s32 $0x4;
	s17 =	simm.s32 $0x0  }
0x7: {  	s6 =	sand.u32 $0x1, s3;
	[smem:$0x7FF] =	sst s2;
	s30 =	sshll.u32 s1, $0xD  }
0x8: {  	s3 =	sadd.s32 $0xA00, s4;
	s31 =	sshll.u32 s1, $0x10;
	s7 =	sshll.u32 s6, $0xC  }
0x9: {  	_ =	strace $0x80000047;
	s8 =	ssub.s32 $0x2, s6;
	s7 =	sor.u32 s7, s30  }
0xa: {  	s6 =	sshll.u32 s6, $0xF;
	s10 =	sshrl.u32 s8, $0x1;
	s9 =	sshrl.u32 s7, $0x3  }
0xb: {  	s8 =	ssub.s32 s8, s10;
	s7 =	sshll.u32 s7, $0x3;
	s10 =	simm.s32 $0x80  }
0xc: {  	s4 =	sadd.s32 s9, s4;
	s9 =	sadd.s32 s31, s5;
	s5 =	sadd.s32 s5, s7  }
0xd: {  	s7 =	smax.u32 s8, $0x1;
	s4 =	sadd.s32 $0x2A00, s4;
	s9 =	sadd.s32 s6, s9  }
0xe: {  	s6 =	sadd.s32 $0x7C00, s5;
	s8 =	sadd.s32 $0x400, s9;
	s9 =	simm.s32 $0x5  }
.LBB2_1:
0xf: {  	[tilespmem:s2], [sflag:$0x5] =	stream.linear.gather [hbm4b:s4+s2], $0x1000, $0x38;
	[tilespmem:$0x5000] =	vst v63  }
0x10: {  	_ =	swait.ge [sflag:s9], $0x1000  }
0x11: {  	[sflag:s9] =	ssyncset.done $0x0  }
0x12: {  	[sflag:s9] =	ssyncadd.s32 $0xFFFFF000  }
0x13: {  	[tilespmem:s11], [sflag:$0x1] =	stream.indirect.gather [hbm4b:s3+s10], $0x40, s2, s10, $0xb8;
	[tilespmem:$0x5000] =	vst v63  }
0x14: {  	_ =	swait.ge [sflag:s12], $0x2000  }
0x15: {  	[sflag:s12] =	ssyncset.done $0x0  }
0x16: {  	[sflag:s12] =	ssyncadd.s32 $0xFFFFE000  }
0x17: {  	[tilespmem:s13], [sflag:$0x2] =	stream.indirect.gather [hbm4b:s3+s10], $0x40, s10, s10, $0xb8;
	[tilespmem:$0x5000] =	vst v63  }
0x18: {  	_ = 	snop  }
0x19: {  	[hbm4b:s5+s2] =	stream.linear.scatter [tilespmem:s11], [sflag:$0x3], $0x2000, $0x38;
	[tilespmem:$0x5000] =	vst v63  }
0x1a: {  	_ =	swait.ge [sflag:s14], $0x2000  }
0x1b: {  	[sflag:s14] =	ssyncset.done $0x0  }
0x1c: {  	s18 =	simm.s32 $0x100;
	[sflag:s14] =	ssyncadd.s32 $0xFFFFE000  }
0x1d: {  	[tilespmem:s11], [sflag:$0x1] =	stream.indirect.gather [hbm4b:s3+s10], $0x40, s18, s10, $0xb8;
	[tilespmem:$0x5000] =	vst v63  }
0x1e: {  	_ =	swait.ge [sflag:s15], $0x2000  }
0x1f: {  	[sflag:s15] =	ssyncset.done $0x0  }
0x20: {  	[sflag:s15] =	ssyncadd.s32 $0xFFFFE000  }
0x21: {  	[hbm4b:s8+s2] =	stream.linear.scatter [tilespmem:s13], [sflag:$0x4], $0x2000, $0x38;
	[tilespmem:$0x5000] =	vst v63  }
0x22: {  	_ =	swait.ge [sflag:s16], $0x2000  }
0x23: {  	[sflag:s16] =	ssyncset.done $0x0  }
0x24: {  	s31 =	simm.s32 $0x180;
	[sflag:s16] =	ssyncadd.s32 $0xFFFFE000  }
0x25: {  	[tilespmem:s13], [sflag:$0x2] =	stream.indirect.gather [hbm4b:s3+s10], $0x40, s31, s10, $0xb8;
	[tilespmem:$0x5000] =	vst v63  }
0x26: {  	_ =	swait.ge [sflag:s12], $0x2000  }
0x27: {  	s20 =	sadd.s32 $0x400, s8;
	[sflag:s12] =	ssyncset.done $0x0  }
0x28: {  	s19 =	sadd.s32 $0x800, s8;
	s18 =	simm.s32 $0x400;
	[sflag:s12] =	ssyncadd.s32 $0xFFFFE000  }
.LBB2_2:
0x29: {  	[hbm4b:s20+s2] =	stream.linear.scatter [tilespmem:s11], [sflag:$0x3], $0x2000, $0x38;
	[tilespmem:$0x5000] =	vst v63  }
0x2a: {  	s20 =	smov.u32 s18  }
0x2b: {  	p0 =	sne.s32 s18, $0x3800;
	s18 =	sadd.s32 $0x400, s18;
	_ =	swait.ge [sflag:s14], $0x2000  }
0x2c: {  	s20 =	sshra.s32 s20, $0x2;
	[sflag:s14] =	ssyncset.done $0x0  }
0x2d: {  	s21 =	sadd.s32 $0x100, s20;
	[sflag:s14] =	ssyncadd.s32 $0xFFFFE000  }
0x2e: {  	[tilespmem:s11], [sflag:$0x1] =	stream.indirect.gather [hbm4b:s3+s10], $0x40, s21, s10, $0xb8;
	[tilespmem:$0x5000] =	vst v63  }
0x2f: {  	_ =	swait.ge [sflag:s15], $0x2000  }
0x30: {  	[sflag:s15] =	ssyncset.done $0x0  }
0x31: {  	[sflag:s15] =	ssyncadd.s32 $0xFFFFE000  }
0x32: {  	[hbm4b:s19+s2] =	stream.linear.scatter [tilespmem:s13], [sflag:$0x4], $0x2000, $0x38;
	[tilespmem:$0x5000] =	vst v63  }
0x33: {  	_ =	swait.ge [sflag:s16], $0x2000  }
0x34: {  	[sflag:s16] =	ssyncset.done $0x0  }
.Ltmp0:
0x35: {  	s20 =	sadd.s32 $0x180, s20;
	[sflag:s16] =	ssyncadd.s32 $0xFFFFE000;
	(pc) =	sbr.rel @p0 .LBB2_2-.Ltmp0, $4  }
0x36: {  	[tilespmem:s13], [sflag:$0x2] =	stream.indirect.gather [hbm4b:s3+s10], $0x40, s20, s10, $0xb8;
	[tilespmem:$0x5000] =	vst v63  }
0x37: {  	_ =	swait.ge [sflag:s12], $0x2000  }
0x38: {  	[sflag:s12] =	ssyncset.done $0x0  }
0x39: {  	s20 =	sadd.s32 $0x400, s19;
	s19 =	sadd.s32 $0x800, s19;
	[sflag:s12] =	ssyncadd.s32 $0xFFFFE000  }
0x3a: {  	[hbm4b:s20+s2] =	stream.linear.scatter [tilespmem:s11], [sflag:$0x3], $0x2000, $0x38;
	[tilespmem:$0x5000] =	vst v63  }
0x3b: {  	_ =	swait.ge [sflag:s14], $0x2000  }
0x3c: {  	[sflag:s14] =	ssyncset.done $0x0  }
0x3d: {  	[sflag:s14] =	ssyncadd.s32 $0xFFFFE000  }
0x3e: {  	s17 =	sadd.s32 $0x1, s17;
	_ =	swait.ge [sflag:s15], $0x2000  }
0x3f: {  	p0 =	sne.s32 s17, s7;
	[sflag:s15] =	ssyncset.done $0x0  }
.Ltmp1:
0x40: {  	[sflag:s15] =	ssyncadd.s32 $0xFFFFE000;
	(pc) =	sbr.rel @p0 .LBB2_1-.Ltmp1, $4  }
0x41: {  	[hbm4b:s6+s2] =	stream.linear.scatter [tilespmem:s13], [sflag:$0x4], $0x2000, $0x38;
	[tilespmem:$0x5000] =	vst v63  }
0x42: {  	_ =	swait.ge [sflag:s16], $0x2000  }
0x43: {  	[sflag:s16] =	ssyncset.done $0x0  }
0x44: {  	[sflag:s16] =	ssyncadd.s32 $0xFFFFE000  }
0x45: {  	_ =	sfence.sel $0x180000  }
0x46: {  	[bflag:$0x0] =	sbarrier.arrive $0xFFFF  }
0x47: {  	p0 =	sne.s32 s1, $0x0;
	_ =	strace $0x90000047  }
0x48: {  	s0 =	sadd.s32 @!p0 $0x100000, s0;
	[bflag:$0x2] =	sbarrier.arrive $0xFFFF  }
0x49: {  	[sflag:s0] =	ssyncadd.tile.s32 @!p0 $0x1;
	_ =	shalt  }
.Lfunc_end2:
_tile_overlayer_lowered:
.L_overlay_start_2:
0x4a: {  	(tag) =	ssettag $0x2  }
0x4b: {  	s0 =	rddreg [dreg:$0x0];
	s2 =	stileid.u32  }
0x4c: {  	s1 =	rddreg [dreg:$0x1];
	p0 =	sne.s32 s2, $0x0  }
0x4d: {  	s3 =	rddreg [dreg:$0x2];
	[bflag:$0x3] =	sbarrier.arrive $0xFFFF;
	s2 =	simm.s32 @!p0 $0x1C05  }
0x4e: {  	[timem:s3], [sflag:s2] =	dma.local @!p0 [hbm:s0], s1  }
0x4f: {  	s0 =	simm.s32 @!p0 $0x5  }
0x50: {  	_ =	swait.ge @!p0 [sflag:s0], s1  }
0x51: {  	s1 =	ssub.s32 @!p0 $0x0, s1;
	[sflag:s0] =	ssyncset.done @!p0 $0x0  }
0x52: {  	[sflag:s0] =	ssyncadd.s32 @!p0 s1  }
0x53: {  	[bflag:$0x3] =	sbarrier.arrive $0xFFFF  }
0x54: {  	_ =	shalt  }

</sc_bundles>
